<compile_context>
chip_gen: v7x
topology: tpu7x:2x2x1
jax: 0.10.2.dev20260603
libtpu: 0.0.44.dev20260713+nightly
codegen_flags: <defaults>
</compile_context>

<pallas_src>
import jax
import jax.numpy as jnp
from jax.experimental import pallas as pl

_SR = 16


def _splat_kernel(x_ref, gm_ref, bg_ref, on_ref):
    g15 = jnp.clip(gm_ref[0, 0] * jnp.float32(_SR - 1), 0.0, jnp.float32(_SR - 1))
    hb, w = g15.shape
    g_rep = jnp.repeat(g15, _SR, axis=1)
    rv = (jax.lax.broadcasted_iota(jnp.int32, (hb, w * _SR), 1) & (_SR - 1)).astype(jnp.float32)
    w3 = jnp.maximum(0.0, 1.0 - jnp.abs(rv - g_rep))
    on_ref[0, 0] = w3
    for c in range(x_ref.shape[1]):
        bg_ref[0, c] = jnp.repeat(x_ref[0, c], _SR, axis=1) * w3


def kernel(x, gm):
    n, c, h, w = x.shape
    hb = 8
    grid = (n, h // hb)
    bg, on = pl.pallas_call(
        _splat_kernel,
        grid=grid,
        in_specs=[
            pl.BlockSpec((1, c, hb, w), lambda i, j: (i, 0, j, 0)),
            pl.BlockSpec((1, 1, hb, w), lambda i, j: (i, 0, j, 0)),
        ],
        out_specs=[
            pl.BlockSpec((1, c, hb, w * _SR), lambda i, j: (i, 0, j, 0)),
            pl.BlockSpec((1, 1, hb, w * _SR), lambda i, j: (i, 0, j, 0)),
        ],
        out_shape=[
            jax.ShapeDtypeStruct((n, c, h, w * _SR), x.dtype),
            jax.ShapeDtypeStruct((n, 1, h, w * _SR), x.dtype),
        ],
    )(x, gm)
    return bg.reshape(n, c, h, w, _SR), on.reshape(n, 1, h, w, _SR)

# --- scband reference (transcript-rebuilt; emitter-appended) ---
"""Pipeline reference for scband-bgrid-splatting2-dto3-d-19164144075645 (READ-ONLY COPY).

The authoritative reference and input builder live on the scoring server;
editing this copy changes nothing except your own understanding.
"""

import jax, jax.numpy as jnp
import numpy as np

IMG_SIZE = (384, 384)
S_S = 1
S_R = 16


def setup_inputs(seed: int = 0):
    key = jax.random.key(seed)
    k1, k2 = jax.random.split(key)
    x = jax.random.normal(k1, (4, 3, 384, 384), dtype=jnp.float32)
    gm = jax.random.uniform(k2, (4, 1, 384, 384), dtype=jnp.float32)
    return {"x": x, "gm": gm}


def _splat_linear(xb, cb, out_sizes):
    # xb: (C, P) values, cb: (P, 3) voxel coordinates into the output grid
    # order-1 (trilinear) splatting with 'replicate' boundary (indices clamped)
    GH, GW, SR = out_sizes
    f = jnp.floor(cb)
    t = cb - f
    fi = f.astype(jnp.int32)
    C = xb.shape[0]
    out = jnp.zeros((C, GH * GW * SR), dtype=xb.dtype)
    for dh in (0, 1):
        wh = t[:, 0] if dh else 1.0 - t[:, 0]
        ih = jnp.clip(fi[:, 0] + dh, 0, GH - 1)
        for dw in (0, 1):
            ww = t[:, 1] if dw else 1.0 - t[:, 1]
            iw = jnp.clip(fi[:, 1] + dw, 0, GW - 1)
            for dr in (0, 1):
                wr = t[:, 2] if dr else 1.0 - t[:, 2]
                ir = jnp.clip(fi[:, 2] + dr, 0, SR - 1)
                wgt = wh * ww * wr
                flat = (ih * GW + iw) * SR + ir
                out = out.at[:, flat].add(xb * wgt[None, :])
    return out.reshape(C, GH, GW, SR)


def _forward(x, gm):
    n, c, h, w = x.shape
    gh, gw = int(h * S_S), int(w * S_S)
    sr = S_R
    # gm assumed same spatial size as x (no bilinear resize needed)
    gm = gm * (sr - 1)
    hg = (jnp.arange(h, dtype=jnp.float32) / (h - 1) * (gh - 1))[:, None] * jnp.ones((1, w), jnp.float32)
    wg = jnp.ones((h, 1), jnp.float32) * (jnp.arange(w, dtype=jnp.float32) / (w - 1) * (gw - 1))[None, :]
    hgb = jnp.broadcast_to(hg, (n, h, w))
    wgb = jnp.broadcast_to(wg, (n, h, w))
    ones = jnp.ones((n, 1, h, w), dtype=x.dtype)
    x5 = jnp.concatenate([x, ones], axis=1)  # (n, c+1, h, w) homogeneous channel
    coords = jnp.stack([hgb, wgb, gm[:, 0]], axis=-1)  # (n, h, w, 3)
    P = h * w
    xf = x5.reshape(n, c + 1, P)
    cf = coords.reshape(n, P, 3)
    splat = lambda xb, cb: _splat_linear(xb, cb, (gh, gw, sr))
    bg = jax.vmap(splat)(xf, cf)  # (n, c+1, gh, gw, sr)
    on = bg[:, -1:]
    bg_out = bg[:, :-1]
    return bg_out, on


def reference(x, gm):
    return _forward(x, gm)

if __name__ == "__main__":
    import jax
    _d = setup_inputs()
    print(jax.jit(kernel)(*tuple(_d.values())))

</pallas_src>

<mosaic_0001>
module attributes {stable_mosaic.version = 14 : i64} {
  func.func @_splat_kernel(%arg0: i32, %arg1: i32, %arg2: memref<1x3x8x384xf32, #tpu.memory_space<vmem>>, %arg3: memref<1x1x8x384xf32, #tpu.memory_space<vmem>>, %arg4: memref<1x3x8x6144xf32, #tpu.memory_space<vmem>>, %arg5: memref<1x1x8x6144xf32, #tpu.memory_space<vmem>>) attributes {dimension_semantics = [#tpu.dimension_semantics<arbitrary>, #tpu.dimension_semantics<arbitrary>], iteration_bounds = array<i64: 4, 48>, scalar_prefetch = 0 : i64, scratch_operands = 0 : i64, tpu.core_type = #tpu.core_type<tc>, window_params = [{transform_indices = @transform_0, window_bounds = array<i64: 1, 3, 8, 384>}, {transform_indices = @transform_1, window_bounds = array<i64: 1, 1, 8, 384>}, {transform_indices = @transform_2, window_bounds = array<i64: 1, 3, 8, 6144>}, {transform_indices = @transform_3, window_bounds = array<i64: 1, 1, 8, 6144>}]} {
    %get3A = arith.constant 0 : index
    %get3A_0 = arith.constant 0 : index
    %get3A_1 = arith.constant 0 : index
    %get3A_2 = arith.constant 0 : index
    %get3A_3 = vector.load %arg3[%get3A, %get3A_0, %get3A_1, %get3A_2] : memref<1x1x8x384xf32, #tpu.memory_space<vmem>>, vector<1x1x8x384xf32>
    %get3A_4 = vector.shape_cast %get3A_3 : vector<1x1x8x384xf32> to vector<8x384xf32>
    %mul3A = arith.constant 1.500000e+01 : f32
    %mul3A_5 = vector.broadcast %mul3A : f32 to vector<8x384xf32>
    %mul3A_6 = arith.mulf %get3A_4, %mul3A_5 : vector<8x384xf32>
    %jit3A = arith.constant 0.000000e+00 : f32
    %jit3A_7 = arith.constant 1.500000e+01 : f32
    %max3A = vector.broadcast %jit3A : f32 to vector<8x384xf32>
    %max3A_8 = arith.maximumf %max3A, %mul3A_6 : vector<8x384xf32>
    %min3A = vector.broadcast %jit3A_7 : f32 to vector<8x384xf32>
    %min3A_9 = arith.minimumf %min3A, %max3A_8 : vector<8x384xf32>
    %broadcast_in_dim3A = vector.shape_cast %min3A_9 : vector<8x384xf32> to vector<8x384x1xf32>
    %broadcast_in_dim3A_10 = vector.broadcast %broadcast_in_dim3A : vector<8x384x1xf32> to vector<8x384x16xf32>
    %reshape3A = vector.shape_cast %broadcast_in_dim3A_10 : vector<8x384x16xf32> to vector<8x6144xf32>
    %iota3A = tpu.iota {dimensions = array<i32: 1>} : vector<8x6144xi32>
    %and3A = arith.constant 15 : i32
    %and3A_11 = vector.broadcast %and3A : i32 to vector<8x6144xi32>
    %and3A_12 = arith.andi %iota3A, %and3A_11 : vector<8x6144xi32>
    %convert_element_type3A = arith.sitofp %and3A_12 : vector<8x6144xi32> to vector<8x6144xf32>
    %sub3A = arith.subf %convert_element_type3A, %reshape3A : vector<8x6144xf32>
    %abs3A = math.absf %sub3A : vector<8x6144xf32>
    %sub3A_13 = arith.constant 1.000000e+00 : f32
    %sub3A_14 = vector.broadcast %sub3A_13 : f32 to vector<8x6144xf32>
    %sub3A_15 = arith.subf %sub3A_14, %abs3A : vector<8x6144xf32>
    %max3A_16 = arith.constant 0.000000e+00 : f32
    %max3A_17 = vector.broadcast %max3A_16 : f32 to vector<8x6144xf32>
    %max3A_18 = arith.maximumf %max3A_17, %sub3A_15 : vector<8x6144xf32>
    %swap3A = arith.constant 0 : index
    %swap3A_19 = arith.constant 0 : index
    %swap3A_20 = arith.constant 0 : index
    %swap3A_21 = arith.constant 0 : index
    %swap3A_22 = vector.load %arg5[%swap3A, %swap3A_19, %swap3A_20, %swap3A_21] : memref<1x1x8x6144xf32, #tpu.memory_space<vmem>>, vector<1x1x8x6144xf32>
    %swap3A_23 = vector.shape_cast %swap3A_22 : vector<1x1x8x6144xf32> to vector<8x6144xf32>
    %swap3A_24 = vector.shape_cast %max3A_18 : vector<8x6144xf32> to vector<1x1x8x6144xf32>
    tpu.vector_store %arg5[%swap3A, %swap3A_19, %swap3A_20, %swap3A_21], %swap3A_24 {strides = array<i32>} : memref<1x1x8x6144xf32, #tpu.memory_space<vmem>>, vector<1x1x8x6144xf32>,
    %get3A_25 = arith.constant 0 : index
    %get3A_26 = arith.constant 0 : index
    %get3A_27 = arith.constant 0 : index
    %get3A_28 = arith.constant 0 : index
    %get3A_29 = vector.load %arg2[%get3A_25, %get3A_26, %get3A_27, %get3A_28] : memref<1x3x8x384xf32, #tpu.memory_space<vmem>>, vector<1x1x8x384xf32>
    %get3A_30 = vector.shape_cast %get3A_29 : vector<1x1x8x384xf32> to vector<8x384xf32>
    %broadcast_in_dim3A_31 = vector.shape_cast %get3A_30 : vector<8x384xf32> to vector<8x384x1xf32>
    %broadcast_in_dim3A_32 = vector.broadcast %broadcast_in_dim3A_31 : vector<8x384x1xf32> to vector<8x384x16xf32>
    %reshape3A_33 = vector.shape_cast %broadcast_in_dim3A_32 : vector<8x384x16xf32> to vector<8x6144xf32>
    %mul3A_34 = arith.mulf %reshape3A_33, %max3A_18 : vector<8x6144xf32>
    %swap3A_35 = arith.constant 0 : index
    %swap3A_36 = arith.constant 0 : index
    %swap3A_37 = arith.constant 0 : index
    %swap3A_38 = arith.constant 0 : index
    %swap3A_39 = vector.load %arg4[%swap3A_35, %swap3A_36, %swap3A_37, %swap3A_38] : memref<1x3x8x6144xf32, #tpu.memory_space<vmem>>, vector<1x1x8x6144xf32>
    %swap3A_40 = vector.shape_cast %swap3A_39 : vector<1x1x8x6144xf32> to vector<8x6144xf32>
    %swap3A_41 = vector.shape_cast %mul3A_34 : vector<8x6144xf32> to vector<1x1x8x6144xf32>
    tpu.vector_store %arg4[%swap3A_35, %swap3A_36, %swap3A_37, %swap3A_38], %swap3A_41 {strides = array<i32>} : memref<1x3x8x6144xf32, #tpu.memory_space<vmem>>, vector<1x1x8x6144xf32>,
    %get3A_42 = arith.constant 0 : index
    %get3A_43 = arith.constant 1 : index
    %get3A_44 = arith.constant 0 : index
    %get3A_45 = arith.constant 0 : index
    %get3A_46 = vector.load %arg2[%get3A_42, %get3A_43, %get3A_44, %get3A_45] : memref<1x3x8x384xf32, #tpu.memory_space<vmem>>, vector<1x1x8x384xf32>
    %get3A_47 = vector.shape_cast %get3A_46 : vector<1x1x8x384xf32> to vector<8x384xf32>
    %broadcast_in_dim3A_48 = vector.shape_cast %get3A_47 : vector<8x384xf32> to vector<8x384x1xf32>
    %broadcast_in_dim3A_49 = vector.broadcast %broadcast_in_dim3A_48 : vector<8x384x1xf32> to vector<8x384x16xf32>
    %reshape3A_50 = vector.shape_cast %broadcast_in_dim3A_49 : vector<8x384x16xf32> to vector<8x6144xf32>
    %mul3A_51 = arith.mulf %reshape3A_50, %max3A_18 : vector<8x6144xf32>
    %swap3A_52 = arith.constant 0 : index
    %swap3A_53 = arith.constant 1 : index
    %swap3A_54 = arith.constant 0 : index
    %swap3A_55 = arith.constant 0 : index
    %swap3A_56 = vector.load %arg4[%swap3A_52, %swap3A_53, %swap3A_54, %swap3A_55] : memref<1x3x8x6144xf32, #tpu.memory_space<vmem>>, vector<1x1x8x6144xf32>
    %swap3A_57 = vector.shape_cast %swap3A_56 : vector<1x1x8x6144xf32> to vector<8x6144xf32>
    %swap3A_58 = vector.shape_cast %mul3A_51 : vector<8x6144xf32> to vector<1x1x8x6144xf32>
    tpu.vector_store %arg4[%swap3A_52, %swap3A_53, %swap3A_54, %swap3A_55], %swap3A_58 {strides = array<i32>} : memref<1x3x8x6144xf32, #tpu.memory_space<vmem>>, vector<1x1x8x6144xf32>,
    %get3A_59 = arith.constant 0 : index
    %get3A_60 = arith.constant 2 : index
    %get3A_61 = arith.constant 0 : index
    %get3A_62 = arith.constant 0 : index
    %get3A_63 = vector.load %arg2[%get3A_59, %get3A_60, %get3A_61, %get3A_62] : memref<1x3x8x384xf32, #tpu.memory_space<vmem>>, vector<1x1x8x384xf32>
    %get3A_64 = vector.shape_cast %get3A_63 : vector<1x1x8x384xf32> to vector<8x384xf32>
    %broadcast_in_dim3A_65 = vector.shape_cast %get3A_64 : vector<8x384xf32> to vector<8x384x1xf32>
    %broadcast_in_dim3A_66 = vector.broadcast %broadcast_in_dim3A_65 : vector<8x384x1xf32> to vector<8x384x16xf32>
    %reshape3A_67 = vector.shape_cast %broadcast_in_dim3A_66 : vector<8x384x16xf32> to vector<8x6144xf32>
    %mul3A_68 = arith.mulf %reshape3A_67, %max3A_18 : vector<8x6144xf32>
    %swap3A_69 = arith.constant 0 : index
    %swap3A_70 = arith.constant 2 : index
    %swap3A_71 = arith.constant 0 : index
    %swap3A_72 = arith.constant 0 : index
    %swap3A_73 = vector.load %arg4[%swap3A_69, %swap3A_70, %swap3A_71, %swap3A_72] : memref<1x3x8x6144xf32, #tpu.memory_space<vmem>>, vector<1x1x8x6144xf32>
    %swap3A_74 = vector.shape_cast %swap3A_73 : vector<1x1x8x6144xf32> to vector<8x6144xf32>
    %swap3A_75 = vector.shape_cast %mul3A_68 : vector<8x6144xf32> to vector<1x1x8x6144xf32>
    tpu.vector_store %arg4[%swap3A_69, %swap3A_70, %swap3A_71, %swap3A_72], %swap3A_75 {strides = array<i32>} : memref<1x3x8x6144xf32, #tpu.memory_space<vmem>>, vector<1x1x8x6144xf32>,
    return
  }
  func.func @transform_0(%arg0: i32, %arg1: i32) -> (i32, i32, i32, i32) {
    %c0_i32 = arith.constant 0 : i32
    %c0_i32_0 = arith.constant 0 : i32
    %c0_i32_1 = arith.constant 0 : i32
    return %arg0, %c0_i32, %arg1, %c0_i32_0 : i32, i32, i32, i32
  }
  func.func @transform_1(%arg0: i32, %arg1: i32) -> (i32, i32, i32, i32) {
    %c0_i32 = arith.constant 0 : i32
    %c0_i32_0 = arith.constant 0 : i32
    %c0_i32_1 = arith.constant 0 : i32
    return %arg0, %c0_i32, %arg1, %c0_i32_0 : i32, i32, i32, i32
  }
  func.func @transform_2(%arg0: i32, %arg1: i32) -> (i32, i32, i32, i32) {
    %c0_i32 = arith.constant 0 : i32
    %c0_i32_0 = arith.constant 0 : i32
    %c0_i32_1 = arith.constant 0 : i32
    return %arg0, %c0_i32, %arg1, %c0_i32_0 : i32, i32, i32, i32
  }
  func.func @transform_3(%arg0: i32, %arg1: i32) -> (i32, i32, i32, i32) {
    %c0_i32 = arith.constant 0 : i32
    %c0_i32_0 = arith.constant 0 : i32
    %c0_i32_1 = arith.constant 0 : i32
    return %arg0, %c0_i32, %arg1, %c0_i32_0 : i32, i32, i32, i32
  }
}

</mosaic_0001>

<sc_bundles>
// kernel: sparse-core-data-format-call.1.cloned.1.call-start
scs
called_computation.1_lowered:
.L_overlay_start_0:
0x0: {  	s2 =	sld [smem:$0x3FD9]  }
0x1: {  	s3 =	sld [smem:$0x3FFE];
	_ =	sdelay $0x1  }
0x2: {  	s1 =	srdreg.scid  }
0x3: {  	s0 =	sand.u32 $0x1, s1  }
0x4: {  	s16 =	sshll.u32 s0, $0xA;
	s2 =	sadd.s32 s3, s2  }
0x5: {  	s2 =	sadd.s32 s2, s16  }
0x6: {  	[smem:$0x3FC6] =	sst s2  }
0x7: {  	_ = 	snop  }
0x8: {  	s2 =	sld [smem:$0x3FD0];
	_ =	sdelay $0x2  }
0x9: {  	s17 =	simm.s32 $0xB;
	s4 =	simm.s32 $0x10  }
0xa: {  	[smem:s4], [sflag:s17] =	dma.local [hbm:s2], $0x1  }
0xb: {  	_ =	swait.eq [sflag:s17], $0x1  }
0xc: {  	[sflag:s17] =	ssyncset.done $0x0  }
0xd: {  	[sflag:s17] =	ssyncadd.s32 $0xFFFFFFFF  }
0xe: {  	s18 =	sld [smem:$0x10];
	(tm) =	ssettm $0x1  }
0xf: {  	s19 =	sld [smem:$0x3FFB];
	_ =	sdelay $0x3  }
0x10: {  	_ =	strace s19  }
0x11: {  	s2 =	sld [smem:$0x3FFC];
	_ =	sdelay $0x3  }
0x12: {  	_ =	strace s2  }
0x13: {  	s2 =	sld [smem:$0x3FFD];
	_ =	sdelay $0x3  }
0x14: {  	_ =	strace s2  }
0x15: {  	_ =	strace $0x8FFFFFFF  }
0x16: {  	s20 =	sld [smem:$0x3FDB];
	_ =	sdelay $0x1  }
0x17: {  	s21 =	simm.s32 $_scs_section_size  }
0x18: {  	s5 =	simm.s32 $_size__tile_overlayer_lowered;
	s6 =	simm.s32 $_tile_overlayer_lowered  }
0x19: {  	s7 =	simm.s32 $0x1BFF;
	s22 =	sshll.u32 s6, $0x1;
	s4 =	sadd.s32 s21, s20  }
0x1a: {  	s23 =	simm.s32 $0x0;
	s5 =	sshll.u32 s5, $0x1;
	s6 =	sadd.s32 s22, s4  }
0x1b: {  	[timem:s23], [sflag:s7] =	dma.local [hbm:s6], s5  }
0x1c: {  	_ =	swait.ge [sflag:s7], s5  }
0x1d: {  	s5 =	ssub.s32 $0x0, s5;
	[sflag:s7] =	ssyncset.done $0x0  }
0x1e: {  	[sflag:s7] =	ssyncadd.s32 s5;
	_ =	sdelay $0x1  }
0x1f: {  	s24 =	simm.s32 $0x1B8B  }
0x20: {  	_ =	swait.ge [sflag:s24], $0x1  }
0x21: {  	[sflag:s24] =	ssyncset.done $0x0  }
0x22: {  	[sflag:s24] =	ssyncadd.s32 $0xFFFFFFFF  }
0x23: {  	s5 =	sld [smem:$0x0]  }
0x24: {  	s6 =	sand.u32 $0xFFFFFFFE, s1  }
0x25: {  	p0 =	sne.s32 s1, s6  }
0x26: {  	s6 =	sshll.u32 @p0 s6, $0xE  }
0x27: {  	s6 =	sadd.s32 @p0 $0x11B8D, s6;
	s7 =	sshll.u32 @p0 s5, $0x11  }
0x28: {  	s6 =	sor.u32 @p0 s7, s6  }
0x29: {  	[sflag:s6] =	ssyncadd.remote.s32 @p0 $0x1;
	_ =	sdelay $0x1  }
0x2a: {  	s6 =	simm.s32 @p0 $0x1B8D  }
0x2b: {  	_ =	swait.eq @p0 [sflag:s6], $0x1  }
0x2c: {  	[sflag:s6] =	ssyncadd.s32 @p0 $0xFFFFFFFF  }
0x2d: {  	s7 =	sshll.u32 @!p0 s1, $0xE  }
0x2e: {  	s7 =	sor.u32 @!p0 $0x4000, s7;
	s6 =	simm.s32 @!p0 $0x1B8D  }
0x2f: {  	s5 =	sshll.u32 @!p0 s5, $0x11;
	s7 =	sadd.s32 @!p0 $0x11B8D, s7;
	_ =	swait.eq @!p0 [sflag:s6], $0x1  }
0x30: {  	s5 =	sor.u32 @!p0 s5, s7;
	[sflag:s6] =	ssyncadd.s32 @!p0 $0xFFFFFFFF  }
0x31: {  	s26 =	simm.s32 $0x1B8E;
	s25 =	sld [smem:$0x3FFE];
	[sflag:s5] =	ssyncadd.remote.s32 @!p0 $0x1  }
0x32: {  	s27 =	simm.s32 $execute0_lowered;
	[smem:$0x3FD2] =	sst s26  }
0x33: {  	s6 =	sshll.u32 s27, $0x1;
	_ =	strace $0x80000049;
	[dreg:$0x1] =	wrdreg $0xFFFFFFFF  }
0x34: {  	s28 =	simm.s32 $_size_execute0_lowered;
	s4 =	sadd.s32 s4, s6;
	[dreg:$0x0] =	wrdreg $0x0  }
0x35: {  	s6 =	sshll.u32 s28, $0x1;
	[dreg:$0x2] =	wrdreg s4  }
0x36: {  	[dreg:$0x3] =	wrdreg s6  }
0x37: {  	[dreg:$0x4] =	wrdreg $0xC0  }
0x38: {  	_ =	task [dreg:s23], $0x5FFFF  }
0x39: {  	[dreg:$0x1] =	wrdreg $0xFFFFFFFF  }
0x3a: {  	[dreg:$0x0] =	wrdreg $0x60  }
0x3b: {  	[dreg:$0x2] =	wrdreg s25  }
0x3c: {  	[dreg:$0x3] =	wrdreg s18  }
0x3d: {  	[dreg:$0x4] =	wrdreg $0xA  }
0x3e: {  	_ =	task.clear_ibuf [dreg:s23], $0x5FFFF;
	_ =	strace $0x90000049  }
0x3f: {  	s29 =	simm.s32 $0xA;
	_ =	strace $0x8000004B  }
0x40: {  	_ =	swait.ge [sflag:s29], $0x1  }
0x41: {  	[sflag:s29] =	ssyncadd.s32 $0xFFFFFFFF  }
0x42: {  	_ =	strace $0x9000004B  }
0x43: {  	_ =	sfence  }
0x44: {  	s30 =	sld [smem:$0x0];
	_ =	sdelay $0x2  }
0x45: {  	s31 =	sshll.u32 s1, $0xD;
	s1 =	sshrl.u32 s1, $0x2  }
0x46: {  	s4 =	sand.u32 $0x4000, s31;
	s1 =	sadd.s32 s1, s30  }
0x47: {  	s0 =	sor.u32 s4, s0;
	s1 =	sshll.u32 s1, $0x11  }
0x48: {  	s0 =	sor.u32 s1, s0  }
0x49: {  	s0 =	sadd.s32 $0x8F2B, s0  }
0x4a: {  	[sflag:s0] =	ssyncadd.remote.s32 $0x1  }
0x4b: {  	_ =	sfence.sel $0xFFFF  }
0x4c: {  	[dreg:$0x0] =	wrdreg $0xFFFFFFFF;
	(pc) =	sbr.abs _section_cstart, $3  }
0x4d: {  	[dreg:$0x1] =	wrdreg $0xFFFFFFFF  }
0x4e: {  	_ =	task.clear_ibuf [dreg:s23], $0x2FFFF;
	_ =	strace $0x9FFFFFFF  }
0x4f: {  	(tm) =	ssettm $0x7FFFFFFF  }
tec
execute0_lowered:
.L_overlay_start_1:
0x0: {  	(tag) =	ssettag $0x1  }
0x1: {  	s1 =	rddreg [dreg:$0x0]  }
0x2: {  	s2 =	rddreg [dreg:$0x1]  }
0x3: {  	s0 =	rddreg [dreg:$0x2]  }
0x4: {  	s3 =	srdreg.scid;
	_ =	strace $0x8000004A;
	s5 =	simm.s32 $0x1  }
0x5: {  	s7 =	simm.s32 $0x2;
	s14 =	simm.s32 $0x0;
	p0 =	por $0x0, $0x0  }
0x6: {  	s18 =	simm.s32 $0x0;
	s17 =	simm.s32 $0x0;
	s15 =	simm.s32 $0x0  }
0x7: {  	s16 =	simm.s32 $0x0;
	s9 =	simm.s32 $0x0;
	s11 =	simm.s32 $0x0  }
.Ltmp0:
0x8: {  	s12 =	simm.s32 $0x0;
	s4 =	sshll.u32 s3, $0x4;
	(pc) =	sbr.rel .LBB1_1-.Ltmp0, $4  }
0x9: {  	s3 =	sadd.s32 $0x120E00, s1;
	s1 =	stileid.u32;
	s4 =	sand.u32 $0x10, s4  }
0xa: {  	s8 =	simm.s32 $0x0;
	[sflag:s5] =	ssyncpa.u1 $0x0;
	s6 =	sor.u32 s1, s4  }
0xb: {  	[sflag:s7] =	ssyncpa.u1 $0x0;
	s4 =	sand.u32 $0x3, s1;
	s6 =	sshrl.u32 s6, $0x2  }
0xc: {  	s7 =	simm.s32 $0x1800;
	s13 =	smov.u32 s4;
	s10 =	smov.u32 s6  }
.LBB1_5:
0xd: {  	s19 =	sadd.s32 $0x80, s9  }
0xe: {  	s14 =	sadd.s32 $0x8, s10;
	s20 =	smov.u32 s10;
	p2 =	sgt.s32 s19, $0x17F  }
0xf: {  	s20 =	smov.u32 @p2 s14  }
0x10: {  	s21 =	smov.u32 s11;
	s14 =	sadd.s32 $0x80, s11;
	p3 =	sgt.s32 s20, $0xF  }
0x11: {  	s21 =	smov.u32 @p3 s14  }
0x12: {  	s14 =	simm.s32 $0x1;
	p4 =	sgt.s32 s21, $0x17F  }
0x13: {  	s14 =	simm.s32 @!p4 $0x0  }
0x14: {  	p1 =	slt.u32 s8, $0x2;
	s23 =	smov.u32 s13;
	s22 =	sadd.s32 s14, s12  }
0x15: {  	s8 =	sadd.s32 $0x1, s8;
	s14 =	sadd.s32 $0x4, s13;
	p5 =	sgt.s32 s22, $0x2  }
0x16: {  	s18 =	smov.u32 s10;
	s17 =	smov.u32 s11;
	s23 =	smov.u32 @p5 s14  }
0x17: {  	s15 =	smov.u32 s12;
	s19 =	simm.s32 @p2 $0x0;
	p2 =	sgt.s32 s23, $0x3  }
0x18: {  	s24 =	simm.s32 @!p1 $0x2;
	s23 =	smov.u32 @p2 s4;
	p2 =	sne.s32 s8, $0x38  }
.Ltmp1:
0x19: {  	s16 =	smov.u32 s13;
	_ =	swait.ge @!p1 [sflag:s24], $0x4000;
	(pc) =	sbr.rel @!p2 .LBB1_6-.Ltmp1, $4  }
0x1a: {  	p0 =	por !p0, !p0;
	[sflag:s24] =	ssyncset.done @!p1 $0x0;
	s20 =	smov.u32 @p3 s6  }
0x1b: {  	[sflag:s24] =	ssyncadd.s32 @!p1 $0xFFFFC000;
	s10 =	smov.u32 s20;
	s21 =	simm.s32 @p4 $0x0  }
0x1c: {  	s11 =	smov.u32 s21;
	s22 =	simm.s32 @p5 $0x0;
	s14 =	smov.u32 s9  }
0x1d: {  	s9 =	smov.u32 s19;
	s12 =	smov.u32 s22;
	s13 =	smov.u32 s23  }
.LBB1_1:
0x1e: {  	p1 =	sgt.u32 s8, $0x35  }
0x1f: {  	s19 =	sshrl.u32 @!p1 s10, $0x3  }
0x20: {  	s20 =	sshll.u32 @!p1 s9, $0x3;
	s19 =	smul.u32 @!p1 $0xC00, s19  }
0x21: {  	s21 =	sshll.u32 @!p1 s10, $0x7;
	s20 =	sand.u32 @!p1 $0xFFFFFC00, s20  }
0x22: {  	s19 =	sadd.s32 @!p1 s19, s20;
	s20 =	sand.u32 @!p1 $0x380, s21  }
0x23: {  	s23 =	smul.u32 @!p1 $0xD8000, s13;
	s21 =	sand.u32 @!p1 $0x7F, s9;
	s19 =	sor.u32 @!p1 s20, s19  }
0x24: {  	s24 =	smul.u32 @!p1 $0x48000, s12;
	s20 =	sor.u32 @!p1 s21, s19  }
0x25: {  	s21 =	smulhi.u32 @!p1 $0xAAAAAAAB, s20  }
0x26: {  	s19 =	smulhi.u32 @!p1 $0xAAAAAAAB, s19  }
0x27: {  	s25 =	smul.u32 @!p1 $0x300, s11;
	s21 =	sshrl.u32 @!p1 s21, $0x8  }
0x28: {  	s22 =	sxor.u32 @!p1 $0xFFFFFFFF, s8;
	s19 =	sshrl.u32 @!p1 s19, $0x8;
	s21 =	smul.u32 @!p1 $0x180, s21  }
0x29: {  	s22 =	sshll.u32 @!p1 s22, $0xE;
	s23 =	sadd.s32 @!p1 s3, s23;
	s19 =	sand.u32 @!p1 $0xF, s19  }
0x2a: {  	s19 =	smul.u32 @!p1 $0x30, s19;
	s20 =	ssub.s32 @!p1 s20, s21;
	s21 =	sadd.s32 @!p1 s24, s23  }
0x2b: {  	s22 =	sand.u32 @!p1 $0x4000, s22;
	s21 =	sadd.s32 @!p1 s25, s21;
	s23 =	sand.u32 @!p1 $0x7, s20  }
0x2c: {  	s20 =	sshrl.u32 @!p1 s20, $0x3;
	s19 =	sadd.s32 @!p1 s19, s21;
	s21 =	sshll.u32 @!p1 s23, $0x12  }
0x2d: {  	s19 =	sadd.s32 @!p1 s20, s19;
	s20 =	sor.u32 @!p1 $0x80, s21;
	s21 =	simm.s32 @!p1 $0x1800  }
0x2e: {  	[tilespmem:s22], [sflag:$0x1] =	stream.strided.gather @!p1 [hbm4b:s19+s20], $0x4000, s21, s20, $0x38;
	[tilespmem:$0x10100] =	vst v63  }
0x2f: {  	p1 =	seq.s32 s8, $0x0  }
0x30: {  	p2 =	seq.s32 @!p1 s8, $0x37  }
0x31: {  	p1 =	por p1, p2  }
.Ltmp2:
0x32: {  	_ = 	snop;
	(pc) =	sbr.rel @p1 .LBB1_5-.Ltmp2, $1  }
0x33: {  	_ =	sdelay $0x3  }
0x34: {  	s19 =	simm.s32 $0x1  }
0x35: {  	_ =	swait.ge [sflag:s5], $0x4000;
	s19 =	simm.s32 @!p0 $0x0  }
0x36: {  	[sflag:s5] =	ssyncset.done $0x0;
	s20 =	sshll.u32 s19, $0xE  }
0x37: {  	[sflag:s5] =	ssyncadd.s32 $0xFFFFC000;
	s22 =	sor.u32 $0x40, s20  }
0x38: {  	s19 =	smul.u32 $0x10200, s19;
	v0 =	vld [tilespmem:s22+$0x30]  }
0x39: {  	v1 =	vld [tilespmem:s22+$0xFFFFFFD0]  }
0x3a: {  	s19 =	sshrl.u32 s19, $0x2;
	v5 =	vld [tilespmem:s22+$0xFFFFFFE0]  }
0x3b: {  	v6 =	vld [tilespmem:s22+$0xFFFFFFF0];
	s20 =	sor.u32 $0x8000, s19  }
0x3c: {  	s31 =	sand.u32 $0x1, s8;
	v2 =	vld [tilespmem:s22+$0x0];
	s21 =	sadd.s32 $0x0, s20  }
0x3d: {  	v3 =	vld [tilespmem:s22+$0x10];
	s19 =	smul.u32 $0x10200, s31;
	[tilespmem:s21+$0x3870 ss:$0x81] =	vst.msk $0xffff, v0  }
0x3e: {  	v4 =	vld [tilespmem:s22+$0x20];
	[tilespmem:s21+$0x810 ss:$0x81] =	vst.msk $0xffff, v1  }
0x3f: {  	s19 =	sshrl.u32 s19, $0x2;
	v0 =	vld [tilespmem:s22+$0xFFFFFFC0];
	[tilespmem:s21+$0x1020 ss:$0x81] =	vst.msk $0xffff, v5;
	s22 =	sadd.s32 $0x80, s22  }
0x40: {  	s23 =	simm.s32 $0x4;
	s24 =	simm.s32 $0x8;
	s19 =	sor.u32 $0x8000, s19;
	[tilespmem:s21+$0x1830 ss:$0x81] =	vst.msk $0xffff, v6;
	v1 =	vld [tilespmem:s22+$0x30]  }
.LBB1_3:
0x41: {  	p1 =	sne.s32 s24, $0x1FC;
	v5 =	vld [tilespmem:s22+$0xFFFFFFD0];
	[tilespmem:s21+$0x2040 ss:$0x81] =	vst.msk $0xffff, v2  }
0x42: {  	v6 =	vld [tilespmem:s22+$0xFFFFFFE0];
	[tilespmem:s21+$0x2850 ss:$0x81] =	vst.msk $0xffff, v3  }
0x43: {  	s25 =	sshra.s32 s23, $0x2;
	s23 =	smov.u32 s24;
	v7 =	vld [tilespmem:s22+$0xFFFFFFF0];
	[tilespmem:s21+$0x3060 ss:$0x81] =	vst.msk $0xffff, v4  }
.Ltmp3:
0x44: {  	v2 =	vld [tilespmem:s22+$0x0];
	[tilespmem:s21+$0x0 ss:$0x81] =	vst.msk $0xffff, v0;
	s21 =	sadd.s32 s25, s20;
	(pc) =	sbr.rel @p1 .LBB1_3-.Ltmp3, $4  }
0x45: {  	v3 =	vld [tilespmem:s22+$0x10];
	[tilespmem:s21+$0x3870 ss:$0x81] =	vst.msk $0xffff, v1  }
0x46: {  	[tilespmem:s21+$0x810 ss:$0x81] =	vst.msk $0xffff, v5;
	v4 =	vld [tilespmem:s22+$0x20]  }
0x47: {  	v0 =	vld [tilespmem:s22+$0xFFFFFFC0];
	[tilespmem:s21+$0x1020 ss:$0x81] =	vst.msk $0xffff, v6;
	s22 =	sadd.s32 $0x80, s22  }
0x48: {  	s24 =	sadd.s32 $0x4, s24;
	v1 =	vld [tilespmem:s22+$0x30];
	[tilespmem:s21+$0x1830 ss:$0x81] =	vst.msk $0xffff, v7  }
0x49: {  	s24 =	sshrl.u32 s18, $0x3  }
0x4a: {  	s25 =	sshll.u32 s17, $0x3;
	s24 =	smul.u32 $0xC00, s24  }
0x4b: {  	s26 =	sshll.u32 s18, $0x7;
	s25 =	sand.u32 $0xFFFFFC00, s25  }
0x4c: {  	v5 =	vld [tilespmem:s22+$0xFFFFFFD0];
	[tilespmem:s21+$0x2040 ss:$0x81] =	vst.msk $0xffff, v2;
	s18 =	sand.u32 $0x380, s26;
	s24 =	sadd.s32 s25, s24  }
0x4d: {  	s27 =	sand.u32 $0x7F, s17;
	v58 =	vld [tilespmem:s22+$0xFFFFFFE0];
	s16 =	smul.u32 $0xD8000, s16;
	[tilespmem:s21+$0x2850 ss:$0x81] =	vst.msk $0xffff, v3;
	s18 =	sor.u32 s18, s24  }
0x4e: {  	s23 =	sshra.s32 s23, $0x2;
	v59 =	vld [tilespmem:s22+$0xFFFFFFF0];
	[tilespmem:s21+$0x3060 ss:$0x81] =	vst.msk $0xffff, v4;
	s17 =	sor.u32 s27, s18;
	s18 =	smulhi.u32 $0xAAAAAAAB, s18  }
0x4f: {  	v60 =	vld [tilespmem:s22+$0x0];
	s20 =	sadd.s32 s23, s20;
	[tilespmem:s21+$0x0 ss:$0x81] =	vst.msk $0xffff, v0;
	s28 =	smulhi.u32 $0xAAAAAAAB, s17  }
0x50: {  	v61 =	vld [tilespmem:s22+$0x10];
	s15 =	smul.u32 $0x48000, s15;
	[tilespmem:s20+$0x3870 ss:$0x81] =	vst.msk $0xffff, v1  }
0x51: {  	v62 =	vld [tilespmem:s22+$0x20];
	s14 =	smul.u32 $0x300, s14;
	[tilespmem:s20+$0x810 ss:$0x81] =	vst.msk $0xffff, v5;
	s18 =	sshrl.u32 s18, $0x8;
	s24 =	sshrl.u32 s28, $0x8  }
0x52: {  	v63 =	vld [tilespmem:s22+$0xFFFFFFC0];
	[tilespmem:s20+$0x1020 ss:$0x81] =	vst.msk $0xffff, v58;
	s18 =	sand.u32 $0xF, s18;
	s29 =	smul.u32 $0x180, s24  }
0x53: {  	s16 =	sadd.s32 s2, s16;
	[tilespmem:s20+$0x1830 ss:$0x81] =	vst.msk $0xffff, v59;
	s18 =	smul.u32 $0x30, s18  }
.Ltmp4:
0x54: {  	s15 =	sadd.s32 s15, s16;
	[tilespmem:s20+$0x2040 ss:$0x81] =	vst.msk $0xffff, v60;
	s17 =	ssub.s32 s17, s29;
	(pc) =	sbr.rel .LBB1_5-.Ltmp4, $4  }
0x55: {  	s14 =	sadd.s32 s14, s15;
	[tilespmem:s20+$0x2850 ss:$0x81] =	vst.msk $0xffff, v61;
	s30 =	sand.u32 $0x7, s17  }
0x56: {  	[tilespmem:s20+$0x3060 ss:$0x81] =	vst.msk $0xffff, v62;
	s14 =	sadd.s32 s18, s14;
	s31 =	sshrl.u32 s17, $0x3;
	s15 =	sshll.u32 s30, $0x12  }
0x57: {  	[tilespmem:s20+$0x0 ss:$0x81] =	vst.msk $0xffff, v63;
	s14 =	sadd.s32 s31, s14;
	s15 =	sor.u32 $0x80, s15  }
0x58: {  	[hbm4b:s14+s15] =	stream.strided.scatter [tilespmem:s19], [sflag:$0x2], $0x4000, s7, s15, $0x20;
	[tilespmem:$0x10100] =	vst v63  }
.LBB1_6:
0x59: {  	_ =	sfence.sel $0x180000  }
0x5a: {  	s2 =	simm.s32 $0x1;
	[bflag:$0x0] =	sbarrier.arrive $0xFFFF  }
0x5b: {  	s31 =	simm.s32 $0x2;
	[sflag:s2] =	ssyncpa.u1 $0x1  }
0x5c: {  	[sflag:s31] =	ssyncpa.u1 $0x1  }
0x5d: {  	p0 =	sne.s32 s1, $0x0;
	_ =	strace $0x9000004A  }
0x5e: {  	s0 =	sadd.s32 @!p0 $0x100000, s0;
	[bflag:$0x2] =	sbarrier.arrive $0xFFFF  }
0x5f: {  	[sflag:s0] =	ssyncadd.tile.s32 @!p0 $0x1;
	_ =	shalt  }
.Lfunc_end1:
_tile_overlayer_lowered:
.L_overlay_start_2:
0x60: {  	(tag) =	ssettag $0x2  }
0x61: {  	s0 =	rddreg [dreg:$0x0];
	s2 =	stileid.u32  }
0x62: {  	s1 =	rddreg [dreg:$0x1];
	p0 =	sne.s32 s2, $0x0  }
0x63: {  	s3 =	rddreg [dreg:$0x2];
	[bflag:$0x3] =	sbarrier.arrive $0xFFFF;
	s2 =	simm.s32 @!p0 $0x1C01  }
0x64: {  	[timem:s3], [sflag:s2] =	dma.local @!p0 [hbm:s0], s1  }
0x65: {  	s0 =	simm.s32 @!p0 $0x1  }
0x66: {  	_ =	swait.ge @!p0 [sflag:s0], s1  }
0x67: {  	s1 =	ssub.s32 @!p0 $0x0, s1;
	[sflag:s0] =	ssyncset.done @!p0 $0x0  }
0x68: {  	[sflag:s0] =	ssyncadd.s32 @!p0 s1  }
0x69: {  	[bflag:$0x3] =	sbarrier.arrive $0xFFFF  }
0x6a: {  	_ =	shalt  }

// kernel: sparse-core-data-format-call.cloned.1.call-start
scs
called_computation_lowered:
.L_overlay_start_0:
0x0: {  	s2 =	sld [smem:$0x3FD9]  }
0x1: {  	s3 =	sld [smem:$0x3FFE];
	_ =	sdelay $0x1  }
0x2: {  	s1 =	srdreg.scid  }
0x3: {  	s0 =	sand.u32 $0x1, s1  }
0x4: {  	s15 =	sshll.u32 s0, $0xA;
	s2 =	sadd.s32 s3, s2  }
0x5: {  	s2 =	sadd.s32 s2, s15  }
0x6: {  	[smem:$0x3FC6] =	sst s2  }
0x7: {  	_ = 	snop  }
0x8: {  	s2 =	sld [smem:$0x3FD0];
	_ =	sdelay $0x2  }
0x9: {  	s16 =	simm.s32 $0xB;
	s4 =	simm.s32 $0x10  }
0xa: {  	[smem:s4], [sflag:s16] =	dma.local [hbm:s2], $0x1  }
0xb: {  	_ =	swait.eq [sflag:s16], $0x1  }
0xc: {  	[sflag:s16] =	ssyncset.done $0x0  }
0xd: {  	[sflag:s16] =	ssyncadd.s32 $0xFFFFFFFF  }
0xe: {  	s17 =	sld [smem:$0x11];
	(tm) =	ssettm $0x1  }
0xf: {  	s18 =	sld [smem:$0x3FFB];
	_ =	sdelay $0x3  }
0x10: {  	_ =	strace s18  }
0x11: {  	s3 =	sld [smem:$0x3FFC];
	_ =	sdelay $0x3  }
0x12: {  	_ =	strace s3  }
0x13: {  	s3 =	sld [smem:$0x3FFD];
	_ =	sdelay $0x3  }
0x14: {  	_ =	strace s3  }
0x15: {  	_ =	strace $0x8FFFFFFF  }
0x16: {  	s19 =	sld [smem:$0x3FDB];
	_ =	sdelay $0x1  }
0x17: {  	s20 =	simm.s32 $_scs_section_size  }
0x18: {  	s5 =	simm.s32 $_size__tile_overlayer_lowered;
	s6 =	simm.s32 $_tile_overlayer_lowered  }
0x19: {  	s23 =	simm.s32 $0x1BFF;
	s22 =	sshll.u32 s6, $0x1;
	s3 =	sadd.s32 s20, s19  }
0x1a: {  	s7 =	simm.s32 $0x0;
	s21 =	sshll.u32 s5, $0x1;
	s5 =	sadd.s32 s22, s3  }
0x1b: {  	[timem:s7], [sflag:s23] =	dma.local [hbm:s5], s21  }
0x1c: {  	_ =	swait.ge [sflag:s23], s21  }
0x1d: {  	s4 =	ssub.s32 $0x0, s21;
	[sflag:s23] =	ssyncset.done $0x0  }
0x1e: {  	[sflag:s23] =	ssyncadd.s32 s4;
	_ =	sdelay $0x1  }
0x1f: {  	s24 =	simm.s32 $0x1B8B  }
0x20: {  	_ =	swait.ge [sflag:s24], $0x1  }
0x21: {  	[sflag:s24] =	ssyncset.done $0x0  }
0x22: {  	s26 =	simm.s32 $0x1B8E;
	s25 =	sld [smem:$0x3FFE];
	[sflag:s24] =	ssyncadd.s32 $0xFFFFFFFF  }
0x23: {  	s27 =	simm.s32 $execute0_lowered;
	[smem:$0x3FD2] =	sst s26  }
0x24: {  	s5 =	sshll.u32 s27, $0x1;
	_ =	strace $0x80000046;
	[dreg:$0x1] =	wrdreg $0xFFFFFFFF  }
0x25: {  	s28 =	simm.s32 $_size_execute0_lowered;
	s3 =	sadd.s32 s3, s5;
	[dreg:$0x0] =	wrdreg $0x0  }
0x26: {  	s5 =	sshll.u32 s28, $0x1;
	[dreg:$0x2] =	wrdreg s3  }
0x27: {  	[dreg:$0x3] =	wrdreg s5  }
0x28: {  	[dreg:$0x4] =	wrdreg $0xC0  }
0x29: {  	_ =	task [dreg:s7], $0x5FFFF  }
0x2a: {  	[dreg:$0x1] =	wrdreg $0xFFFFFFFF  }
0x2b: {  	[dreg:$0x0] =	wrdreg $0x60  }
0x2c: {  	[dreg:$0x2] =	wrdreg s25  }
0x2d: {  	[dreg:$0x3] =	wrdreg s17  }
0x2e: {  	[dreg:$0x4] =	wrdreg $0x9  }
0x2f: {  	_ =	task.clear_ibuf [dreg:s7], $0x5FFFF;
	_ =	strace $0x90000046  }
0x30: {  	s29 =	simm.s32 $0x9;
	_ =	strace $0x80000048  }
0x31: {  	_ =	swait.ge [sflag:s29], $0x1  }
0x32: {  	[sflag:s29] =	ssyncadd.s32 $0xFFFFFFFF  }
0x33: {  	_ =	strace $0x90000048  }
0x34: {  	_ =	sfence  }
0x35: {  	s30 =	sld [smem:$0x0];
	_ =	sdelay $0x2  }
0x36: {  	s31 =	sshll.u32 s1, $0xD;
	s1 =	sshrl.u32 s1, $0x2  }
0x37: {  	s3 =	sand.u32 $0x4000, s31;
	s1 =	sadd.s32 s1, s30  }
0x38: {  	s0 =	sor.u32 s3, s0;
	s1 =	sshll.u32 s1, $0x11  }
0x39: {  	s0 =	sor.u32 s1, s0  }
0x3a: {  	s0 =	sadd.s32 $0x8F2B, s0  }
0x3b: {  	[sflag:s0] =	ssyncadd.remote.s32 $0x1  }
0x3c: {  	_ =	sfence.sel $0xFFFF  }
0x3d: {  	[dreg:$0x0] =	wrdreg $0xFFFFFFFF;
	(pc) =	sbr.abs _section_cstart, $3  }
0x3e: {  	[dreg:$0x1] =	wrdreg $0xFFFFFFFF  }
0x3f: {  	_ =	task.clear_ibuf [dreg:s7], $0x2FFFF;
	_ =	strace $0x9FFFFFFF  }
0x40: {  	(tm) =	ssettm $0x7FFFFFFF  }
0x41: {  	_ =	shalt  }
tec
execute0_lowered:
.L_overlay_start_1:
0x0: {  	(tag) =	ssettag $0x1  }
0x1: {  	s1 =	rddreg [dreg:$0x0]  }
0x2: {  	s2 =	rddreg [dreg:$0x1]  }
0x3: {  	s0 =	rddreg [dreg:$0x2];
	s4 =	srdreg.scid  }
0x4: {  	_ =	strace $0x80000047;
	s7 =	simm.s32 $0x2;
	s13 =	simm.s32 $0x0  }
0x5: {  	p0 =	por $0x0, $0x0;
	s16 =	simm.s32 $0x0;
	s15 =	simm.s32 $0x0  }
0x6: {  	s14 =	simm.s32 $0x0;
	s9 =	simm.s32 $0x0;
	s11 =	simm.s32 $0x0  }
.Ltmp0:
0x7: {  	s3 =	sadd.s32 $0xE00, s1;
	s4 =	sshll.u32 s4, $0x4;
	(pc) =	sbr.rel .LBB1_1-.Ltmp0, $4  }
0x8: {  	s1 =	stileid.u32;
	s5 =	sand.u32 $0x10, s4;
	s4 =	simm.s32 $0x1  }
0x9: {  	s8 =	simm.s32 $0x0;
	s6 =	sor.u32 s1, s5;
	[sflag:s4] =	ssyncpa.u1 $0x0  }
0xa: {  	s5 =	sand.u32 $0x3, s1;
	s6 =	sshrl.u32 s6, $0x2;
	[sflag:s7] =	ssyncpa.u1 $0x0  }
0xb: {  	s7 =	simm.s32 $0x1800;
	s12 =	smov.u32 s5;
	s10 =	smov.u32 s6  }
.LBB1_5:
0xc: {  	s17 =	sadd.s32 $0x80, s9  }
0xd: {  	s13 =	sadd.s32 $0x8, s10;
	s18 =	smov.u32 s10;
	p2 =	sgt.s32 s17, $0x17F  }
0xe: {  	s18 =	smov.u32 @p2 s13  }
0xf: {  	s19 =	smov.u32 s11;
	s13 =	sadd.s32 $0x80, s11;
	p3 =	sgt.s32 s18, $0xF  }
0x10: {  	s19 =	smov.u32 @p3 s13  }
0x11: {  	s20 =	smov.u32 s12;
	s13 =	sadd.s32 $0x4, s12;
	p4 =	sgt.s32 s19, $0x17F  }
0x12: {  	p1 =	slt.u32 s8, $0x2;
	s20 =	smov.u32 @p4 s13  }
0x13: {  	s8 =	sadd.s32 $0x1, s8;
	s17 =	simm.s32 @p2 $0x0;
	p2 =	sgt.s32 s20, $0x3  }
0x14: {  	s21 =	simm.s32 @!p1 $0x2;
	s20 =	smov.u32 @p2 s5;
	p2 =	sne.s32 s8, $0x14  }
.Ltmp1:
0x15: {  	s16 =	smov.u32 s10;
	_ =	swait.ge @!p1 [sflag:s21], $0x4000;
	(pc) =	sbr.rel @!p2 .LBB1_6-.Ltmp1, $4  }
0x16: {  	s15 =	smov.u32 s11;
	s14 =	smov.u32 s12;
	[sflag:s21] =	ssyncset.done @!p1 $0x0  }
0x17: {  	p0 =	por !p0, !p0;
	s18 =	smov.u32 @p3 s6;
	[sflag:s21] =	ssyncadd.s32 @!p1 $0xFFFFC000  }
0x18: {  	s10 =	smov.u32 s18;
	s19 =	simm.s32 @p4 $0x0;
	s13 =	smov.u32 s9  }
0x19: {  	s9 =	smov.u32 s17;
	s11 =	smov.u32 s19;
	s12 =	smov.u32 s20  }
.LBB1_1:
0x1a: {  	p1 =	sgt.u32 s8, $0x11  }
0x1b: {  	s17 =	sshrl.u32 @!p1 s10, $0x3  }
0x1c: {  	s18 =	sshll.u32 @!p1 s9, $0x3;
	s17 =	smul.u32 @!p1 $0xC00, s17  }
0x1d: {  	s19 =	sshll.u32 @!p1 s10, $0x7;
	s18 =	sand.u32 @!p1 $0xFFFFFC00, s18  }
0x1e: {  	s17 =	sadd.s32 @!p1 s17, s18;
	s18 =	sand.u32 @!p1 $0x380, s19  }
0x1f: {  	s19 =	sand.u32 @!p1 $0x7F, s9;
	s17 =	sor.u32 @!p1 s18, s17  }
0x20: {  	s18 =	sor.u32 @!p1 s19, s17  }
0x21: {  	s19 =	smulhi.u32 @!p1 $0xAAAAAAAB, s18  }
0x22: {  	s17 =	smulhi.u32 @!p1 $0xAAAAAAAB, s17  }
0x23: {  	s21 =	smul.u32 @!p1 $0x48000, s12;
	s19 =	sshrl.u32 @!p1 s19, $0x8  }
0x24: {  	s20 =	sxor.u32 @!p1 $0xFFFFFFFF, s8;
	s17 =	sshrl.u32 @!p1 s17, $0x8;
	s19 =	smul.u32 @!p1 $0x180, s19  }
0x25: {  	s22 =	smul.u32 @!p1 $0x300, s11;
	s20 =	sshll.u32 @!p1 s20, $0xE;
	s17 =	sand.u32 @!p1 $0xF, s17  }
0x26: {  	s17 =	smul.u32 @!p1 $0x30, s17;
	s18 =	ssub.s32 @!p1 s18, s19;
	s19 =	sadd.s32 @!p1 s3, s21  }
0x27: {  	s20 =	sand.u32 @!p1 $0x4000, s20;
	s19 =	sadd.s32 @!p1 s22, s19;
	s21 =	sand.u32 @!p1 $0x7, s18  }
0x28: {  	s18 =	sshrl.u32 @!p1 s18, $0x3;
	s17 =	sadd.s32 @!p1 s17, s19;
	s19 =	sshll.u32 @!p1 s21, $0x12  }
0x29: {  	s17 =	sadd.s32 @!p1 s18, s17;
	s18 =	sor.u32 @!p1 $0x80, s19;
	s19 =	simm.s32 @!p1 $0x1800  }
0x2a: {  	[tilespmem:s20], [sflag:$0x1] =	stream.strided.gather @!p1 [hbm4b:s17+s18], $0x4000, s19, s18, $0x38;
	[tilespmem:$0x10100] =	vst v63  }
0x2b: {  	p1 =	seq.s32 s8, $0x0  }
0x2c: {  	p2 =	seq.s32 @!p1 s8, $0x13  }
0x2d: {  	p1 =	por p1, p2  }
.Ltmp2:
0x2e: {  	_ = 	snop;
	(pc) =	sbr.rel @p1 .LBB1_5-.Ltmp2, $1  }
0x2f: {  	_ =	sdelay $0x3  }
0x30: {  	s17 =	simm.s32 $0x1  }
0x31: {  	_ =	swait.ge [sflag:s4], $0x4000;
	s17 =	simm.s32 @!p0 $0x0  }
0x32: {  	[sflag:s4] =	ssyncset.done $0x0;
	s18 =	sshll.u32 s17, $0xE  }
0x33: {  	[sflag:s4] =	ssyncadd.s32 $0xFFFFC000;
	s20 =	sor.u32 $0x40, s18  }
0x34: {  	s17 =	smul.u32 $0x10200, s17;
	v0 =	vld [tilespmem:s20+$0x30]  }
0x35: {  	v1 =	vld [tilespmem:s20+$0xFFFFFFD0]  }
0x36: {  	s17 =	sshrl.u32 s17, $0x2;
	v5 =	vld [tilespmem:s20+$0xFFFFFFE0]  }
0x37: {  	v6 =	vld [tilespmem:s20+$0xFFFFFFF0];
	s18 =	sor.u32 $0x8000, s17  }
0x38: {  	s31 =	sand.u32 $0x1, s8;
	v4 =	vld [tilespmem:s20+$0x0];
	s19 =	sadd.s32 $0x0, s18  }
0x39: {  	v3 =	vld [tilespmem:s20+$0x10];
	s17 =	smul.u32 $0x10200, s31;
	[tilespmem:s19+$0x3870 ss:$0x81] =	vst.msk $0xffff, v0  }
0x3a: {  	v2 =	vld [tilespmem:s20+$0x20];
	[tilespmem:s19+$0x810 ss:$0x81] =	vst.msk $0xffff, v1  }
0x3b: {  	s17 =	sshrl.u32 s17, $0x2;
	v0 =	vld [tilespmem:s20+$0xFFFFFFC0];
	[tilespmem:s19+$0x1020 ss:$0x81] =	vst.msk $0xffff, v5;
	s20 =	sadd.s32 $0x80, s20  }
0x3c: {  	s21 =	simm.s32 $0x4;
	s22 =	simm.s32 $0x8;
	s17 =	sor.u32 $0x8000, s17;
	[tilespmem:s19+$0x1830 ss:$0x81] =	vst.msk $0xffff, v6;
	v1 =	vld [tilespmem:s20+$0x30]  }
.LBB1_3:
0x3d: {  	p1 =	sne.s32 s22, $0x1FC;
	v5 =	vld [tilespmem:s20+$0xFFFFFFD0];
	[tilespmem:s19+$0x2040 ss:$0x81] =	vst.msk $0xffff, v4  }
0x3e: {  	v6 =	vld [tilespmem:s20+$0xFFFFFFE0];
	[tilespmem:s19+$0x2850 ss:$0x81] =	vst.msk $0xffff, v3  }
0x3f: {  	s23 =	sshra.s32 s21, $0x2;
	s21 =	smov.u32 s22;
	v7 =	vld [tilespmem:s20+$0xFFFFFFF0];
	[tilespmem:s19+$0x3060 ss:$0x81] =	vst.msk $0xffff, v2  }
.Ltmp3:
0x40: {  	v4 =	vld [tilespmem:s20+$0x0];
	[tilespmem:s19+$0x0 ss:$0x81] =	vst.msk $0xffff, v0;
	s19 =	sadd.s32 s23, s18;
	(pc) =	sbr.rel @p1 .LBB1_3-.Ltmp3, $4  }
0x41: {  	v3 =	vld [tilespmem:s20+$0x10];
	[tilespmem:s19+$0x3870 ss:$0x81] =	vst.msk $0xffff, v1  }
0x42: {  	[tilespmem:s19+$0x810 ss:$0x81] =	vst.msk $0xffff, v5;
	v2 =	vld [tilespmem:s20+$0x20]  }
0x43: {  	v0 =	vld [tilespmem:s20+$0xFFFFFFC0];
	[tilespmem:s19+$0x1020 ss:$0x81] =	vst.msk $0xffff, v6;
	s20 =	sadd.s32 $0x80, s20  }
0x44: {  	s22 =	sadd.s32 $0x4, s22;
	v1 =	vld [tilespmem:s20+$0x30];
	[tilespmem:s19+$0x1830 ss:$0x81] =	vst.msk $0xffff, v7  }
0x45: {  	s22 =	sshrl.u32 s16, $0x3  }
0x46: {  	s23 =	sshll.u32 s15, $0x3;
	s22 =	smul.u32 $0xC00, s22  }
0x47: {  	s27 =	sshll.u32 s16, $0x7;
	s23 =	sand.u32 $0xFFFFFC00, s23  }
0x48: {  	v5 =	vld [tilespmem:s20+$0xFFFFFFD0];
	[tilespmem:s19+$0x2040 ss:$0x81] =	vst.msk $0xffff, v4;
	s16 =	sand.u32 $0x380, s27;
	s22 =	sadd.s32 s23, s22  }
0x49: {  	s28 =	sand.u32 $0x7F, s15;
	v58 =	vld [tilespmem:s20+$0xFFFFFFE0];
	[tilespmem:s19+$0x2850 ss:$0x81] =	vst.msk $0xffff, v3;
	s16 =	sor.u32 s16, s22  }
0x4a: {  	s21 =	sshra.s32 s21, $0x2;
	v59 =	vld [tilespmem:s20+$0xFFFFFFF0];
	[tilespmem:s19+$0x3060 ss:$0x81] =	vst.msk $0xffff, v2;
	s15 =	sor.u32 s28, s16;
	s16 =	smulhi.u32 $0xAAAAAAAB, s16  }
0x4b: {  	v60 =	vld [tilespmem:s20+$0x0];
	s18 =	sadd.s32 s21, s18;
	[tilespmem:s19+$0x0 ss:$0x81] =	vst.msk $0xffff, v0;
	s29 =	smulhi.u32 $0xAAAAAAAB, s15  }
0x4c: {  	v61 =	vld [tilespmem:s20+$0x10];
	s14 =	smul.u32 $0x48000, s14;
	[tilespmem:s18+$0x3870 ss:$0x81] =	vst.msk $0xffff, v1  }
0x4d: {  	v62 =	vld [tilespmem:s20+$0x20];
	s13 =	smul.u32 $0x300, s13;
	[tilespmem:s18+$0x810 ss:$0x81] =	vst.msk $0xffff, v5;
	s16 =	sshrl.u32 s16, $0x8;
	s30 =	sshrl.u32 s29, $0x8  }
0x4e: {  	v63 =	vld [tilespmem:s20+$0xFFFFFFC0];
	[tilespmem:s18+$0x1020 ss:$0x81] =	vst.msk $0xffff, v58;
	s16 =	sand.u32 $0xF, s16;
	s19 =	smul.u32 $0x180, s30  }
0x4f: {  	[tilespmem:s18+$0x1830 ss:$0x81] =	vst.msk $0xffff, v59;
	s16 =	smul.u32 $0x30, s16  }
.Ltmp4:
0x50: {  	s14 =	sadd.s32 s2, s14;
	[tilespmem:s18+$0x2040 ss:$0x81] =	vst.msk $0xffff, v60;
	s15 =	ssub.s32 s15, s19;
	(pc) =	sbr.rel .LBB1_5-.Ltmp4, $4  }
0x51: {  	s13 =	sadd.s32 s13, s14;
	[tilespmem:s18+$0x2850 ss:$0x81] =	vst.msk $0xffff, v61;
	s31 =	sand.u32 $0x7, s15  }
0x52: {  	[tilespmem:s18+$0x3060 ss:$0x81] =	vst.msk $0xffff, v62;
	s13 =	sadd.s32 s16, s13;
	s15 =	sshrl.u32 s15, $0x3;
	s14 =	sshll.u32 s31, $0x12  }
0x53: {  	[tilespmem:s18+$0x0 ss:$0x81] =	vst.msk $0xffff, v63;
	s13 =	sadd.s32 s15, s13;
	s14 =	sor.u32 $0x80, s14  }
0x54: {  	[hbm4b:s13+s14] =	stream.strided.scatter [tilespmem:s17], [sflag:$0x2], $0x4000, s7, s14, $0x20;
	[tilespmem:$0x10100] =	vst v63  }
.LBB1_6:
0x55: {  	_ =	sfence.sel $0x180000  }
0x56: {  	s2 =	simm.s32 $0x1;
	[bflag:$0x0] =	sbarrier.arrive $0xFFFF  }
0x57: {  	s31 =	simm.s32 $0x2;
	[sflag:s2] =	ssyncpa.u1 $0x1  }
0x58: {  	[sflag:s31] =	ssyncpa.u1 $0x1  }
0x59: {  	p0 =	sne.s32 s1, $0x0;
	_ =	strace $0x90000047  }
0x5a: {  	s0 =	sadd.s32 @!p0 $0x100000, s0;
	[bflag:$0x2] =	sbarrier.arrive $0xFFFF  }
0x5b: {  	[sflag:s0] =	ssyncadd.tile.s32 @!p0 $0x1;
	_ =	shalt  }
.Lfunc_end1:
_tile_overlayer_lowered:
.L_overlay_start_2:
0x5c: {  	(tag) =	ssettag $0x2  }
0x5d: {  	s0 =	rddreg [dreg:$0x0];
	s2 =	stileid.u32  }
0x5e: {  	s1 =	rddreg [dreg:$0x1];
	p0 =	sne.s32 s2, $0x0  }
0x5f: {  	s3 =	rddreg [dreg:$0x2];
	[bflag:$0x3] =	sbarrier.arrive $0xFFFF;
	s2 =	simm.s32 @!p0 $0x1C01  }
0x60: {  	[timem:s3], [sflag:s2] =	dma.local @!p0 [hbm:s0], s1  }
0x61: {  	s0 =	simm.s32 @!p0 $0x1  }
0x62: {  	_ =	swait.ge @!p0 [sflag:s0], s1  }
0x63: {  	s1 =	ssub.s32 @!p0 $0x0, s1;
	[sflag:s0] =	ssyncset.done @!p0 $0x0  }
0x64: {  	[sflag:s0] =	ssyncadd.s32 @!p0 s1  }
0x65: {  	[bflag:$0x3] =	sbarrier.arrive $0xFFFF  }
0x66: {  	_ =	shalt  }

</sc_bundles>
